<compile_context>
chip_gen: v7x
topology: tpu7x:2x2x1
jax: 0.10.2.dev20260603
libtpu: 0.0.44.dev20260713+nightly
codegen_flags: <defaults>
</compile_context>

<pallas_src>
import functools

import jax
import jax.numpy as jnp
from jax import lax
from jax.experimental import pallas as pl
from jax.experimental.pallas import tpu as pltpu
from jax.experimental.pallas import tpu_sc as plsc

_VOCAB = 1000000
_DIM = 64
_OUT_DIM = 5
_SEQ = 200
_BATCH = 4096

_NC = 2
_NS = 16
_NW = _NC * _NS
_BPW = _BATCH // _NW
_LANES = 16
_CH = _DIM // _LANES


def _sc_pool_body(text_hbm, emb_hbm, out_hbm, idx_v, rows_a, rows_b,
                  pooled_v, sem_a, sem_b):
    wid = lax.axis_index("s") * _NC + lax.axis_index("c")
    base = wid * _BPW

    pltpu.sync_copy(text_hbm.at[:, pl.ds(base, _BPW)], idx_v)

    zero = jnp.zeros((_LANES,), jnp.float32)

    def zbody(i, carry):
        for c in range(_CH):
            pooled_v[i, pl.ds(c * _LANES, _LANES)] = zero
        return carry

    lax.fori_loop(0, _BPW, zbody, 0, unroll=2)

    def fire(s, buf, sem):
        pltpu.async_copy(emb_hbm.at[idx_v.at[s]], buf, sem)

    def drain(buf, sem):
        pltpu.make_async_copy(emb_hbm.at[idx_v.at[0]], buf, sem).wait()

    def accum(rows):
        def body(b, carry):
            for u in range(2):
                for c in range(_CH):
                    sl = pl.ds(c * _LANES, _LANES)
                    r = rows[2 * b + u, sl]
                    plsc.addupdate(pooled_v.at[2 * b + u, sl], r)
            return carry
        lax.fori_loop(0, _BPW // 2, body, 0)

    fire(0, rows_a, sem_a)
    fire(1, rows_b, sem_b)

    def pair_body(p, carry):
        s0 = 2 * p
        drain(rows_a, sem_a)
        accum(rows_a)

        @pl.when(s0 + 2 < _SEQ)
        def _():
            fire(s0 + 2, rows_a, sem_a)

        drain(rows_b, sem_b)
        accum(rows_b)

        @pl.when(s0 + 3 < _SEQ)
        def _():
            fire(s0 + 3, rows_b, sem_b)

        return carry

    lax.fori_loop(0, _SEQ // 2, pair_body, 0)

    pltpu.sync_copy(pooled_v, out_hbm.at[pl.ds(base, _BPW), :])


@functools.partial(
    pl.kernel,
    out_type=jax.ShapeDtypeStruct((_BATCH, _DIM), jnp.float32),
    mesh=plsc.VectorSubcoreMesh(core_axis_name="c", subcore_axis_name="s"),
    compiler_params=pltpu.CompilerParams(use_tc_tiling_on_sc=False),
    scratch_types=[
        pltpu.VMEM((_SEQ, _BPW), jnp.int32),
        pltpu.VMEM((_BPW, _DIM), jnp.float32),
        pltpu.VMEM((_BPW, _DIM), jnp.float32),
        pltpu.VMEM((_BPW, _DIM), jnp.float32),
        pltpu.SemaphoreType.DMA,
        pltpu.SemaphoreType.DMA,
    ],
)
def _sc_pool(text_hbm, emb_hbm, out_hbm, idx_v, rows_a, rows_b, pooled_v,
             sem_a, sem_b):
    _sc_pool_body(text_hbm, emb_hbm, out_hbm, idx_v, rows_a, rows_b,
                  pooled_v, sem_a, sem_b)


def _mm_body(p_ref, w_ref, b_ref, o_ref):
    acc = lax.dot_general(p_ref[...], w_ref[...],
                          (((1,), (1,)), ((), ())),
                          preferred_element_type=jnp.float32)
    o_ref[...] = acc * (1.0 / _SEQ) + b_ref[...]


def kernel(text, emb, W, b):
    sums = _sc_pool(text.astype(jnp.int32), emb)
    out = pl.pallas_call(
        _mm_body,
        out_shape=jax.ShapeDtypeStruct((_BATCH, _OUT_DIM), jnp.float32),
    )(sums, W, b.reshape(1, _OUT_DIM))
    return out

# --- scband reference (transcript-rebuilt; emitter-appended) ---
"""Pipeline reference for scband-fast-text-19267223290173 (READ-ONLY COPY).

The authoritative reference and input builder live on the scoring server;
editing this copy changes nothing except your own understanding.
"""

import jax, jax.numpy as jnp
import numpy as np

VOCAB = 1000000
DIM = 64
OUT_DIM = 5
PAD_IDX = 0
SEQ = 200
BATCH = 4096

def setup_inputs(seed: int = 0) -> dict:
    key = jax.random.key(seed)
    k1, k2, k3 = jax.random.split(key, 3)
    text = jax.random.randint(k1, (SEQ, BATCH), 0, VOCAB)
    emb = jax.random.normal(k2, (VOCAB, DIM), dtype=jnp.float32) * 0.05
    emb = emb.at[PAD_IDX].set(0.0)  # padding_idx row is zero
    W = jax.random.normal(k3, (OUT_DIM, DIM), dtype=jnp.float32) * 0.05
    b = jnp.zeros((OUT_DIM,), dtype=jnp.float32)
    return {"text": text, "emb": emb, "W": W, "b": b}

def reference(text, emb, W, b):
    # nn.Embedding lookup -> gather
    embedded = jnp.take(emb, text, axis=0)          # [S, B, D]
    embedded = jnp.transpose(embedded, (1, 0, 2))   # [B, S, D]
    # F.avg_pool2d(embedded, (S, 1)).squeeze(1) == mean over seq dim
    pooled = jnp.mean(embedded, axis=1)             # [B, D]
    return pooled @ W.T + b                          # [B, OUT_DIM]

if __name__ == "__main__":
    import jax
    _d = setup_inputs()
    print(jax.jit(kernel)(*tuple(_d.values())))

</pallas_src>

<mosaic_0001>
#map = affine_map<(d0, d1) -> (0, 0)>
module attributes {stable_mosaic.version = 14 : i64} {
  func.func @_sc_pool(%arg0: i32, %arg1: i32, %arg2: memref<200x4096xi32, #tpu.memory_space<hbm>>, %arg3: memref<1000000x64xf32, #tpu.memory_space<hbm>>, %arg4: memref<4096x64xf32, #tpu.memory_space<hbm>>, %arg5: memref<200x128xi32, #tpu.memory_space<vmem>>, %arg6: memref<128x64xf32, #tpu.memory_space<vmem>>, %arg7: memref<128x64xf32, #tpu.memory_space<vmem>>, %arg8: memref<128x64xf32, #tpu.memory_space<vmem>>, %arg9: memref<!tpu.dma_semaphore, #tpu.memory_space<semaphore_mem>>, %arg10: memref<!tpu.dma_semaphore, #tpu.memory_space<semaphore_mem>>) attributes {dimension_semantics = [#tpu.dimension_semantics<core_parallel>, #tpu.dimension_semantics<subcore_parallel>], iteration_bounds = array<i64: 2, 16>, scalar_prefetch = 0 : i64, scratch_operands = 6 : i64, tpu.core_type = #tpu.core_type<sc_vector_subcore>, window_params = [{transform_indices = #map}, {transform_indices = #map}, {transform_indices = #map}]} {
    %mul3A = arith.constant 2 : i32
    %mul3A_0 = arith.muli %arg1, %mul3A : i32
    %add3A = arith.addi %mul3A_0, %arg0 : i32
    %mul3A_1 = arith.constant 128 : i32
    %mul3A_2 = arith.muli %add3A, %mul3A_1 : i32
    "tpu.region"() ({
      %run_scoped3A = tpu.sem_alloc : memref<!tpu.dma_semaphore, #tpu.memory_space<semaphore_mem>>
      %dma_start3A_28 = arith.constant 0 : i32
      %dma_start3A_29 = tpu.memref_slice %arg2[%dma_start3A_28, %mul3A_2] : memref<200x4096xi32, #tpu.memory_space<hbm>> -> memref<200x128xi32, #tpu.memory_space<hbm>>
      %dma_start3A_30 = arith.constant 0 : i32
      %dma_start3A_31 = tpu.memref_slice %arg2[%dma_start3A_30, %mul3A_2] : memref<200x4096xi32, #tpu.memory_space<hbm>> -> memref<200x128xi32, #tpu.memory_space<hbm>>
      tpu.enqueue_dma source(%dma_start3A_31 : memref<200x128xi32, #tpu.memory_space<hbm>>) target(%arg5 : memref<200x128xi32, #tpu.memory_space<vmem>>) target_semaphore(%run_scoped3A : memref<!tpu.dma_semaphore, #tpu.memory_space<semaphore_mem>>)
      %dma_wait3A = arith.constant 0 : i32
      %dma_wait3A_32 = tpu.memref_slice %arg2[%dma_wait3A, %mul3A_2] : memref<200x4096xi32, #tpu.memory_space<hbm>> -> memref<200x128xi32, #tpu.memory_space<hbm>>
      %dma_wait3A_33 = arith.constant 0 : i32
      %dma_wait3A_34 = tpu.memref_slice %arg2[%dma_wait3A_33, %mul3A_2] : memref<200x4096xi32, #tpu.memory_space<hbm>> -> memref<200x128xi32, #tpu.memory_space<hbm>>
      tpu.wait_dma2 semaphore(%run_scoped3A : memref<!tpu.dma_semaphore, #tpu.memory_space<semaphore_mem>>) src(%dma_wait3A_34 : memref<200x128xi32, #tpu.memory_space<hbm>>) dst(%arg5 : memref<200x128xi32, #tpu.memory_space<vmem>>)
      tpu.yield
    }) : () -> ()
    %broadcast_in_dim3A = arith.constant 0.000000e+00 : f32
    %broadcast_in_dim3A_3 = vector.broadcast %broadcast_in_dim3A : f32 to vector<16xf32>
    %scan3A = arith.constant 0 : i32
    %scan3A_4 = arith.constant 0 : i32
    %scan3A_5 = arith.constant 128 : i32
    %scan3A_6 = arith.addi %scan3A_4, %scan3A_5 : i32
    %scan3A_7 = arith.constant 2 : i32
    scf.for %scan3A_28 = %scan3A_4 to %scan3A_6 step %scan3A_7  : i32 {
      %swap3A = arith.index_cast %scan3A_28 : i32 to index
      %swap3A_29 = arith.constant 0 : index
      %swap3A_30 = tpu.vector_load %arg8[%swap3A, %swap3A_29] {strides = array<i32>} : memref<128x64xf32, #tpu.memory_space<vmem>>, vector<1x16xf32>,
      %swap3A_31 = vector.shape_cast %swap3A_30 : vector<1x16xf32> to vector<16xf32>
      %swap3A_32 = vector.shape_cast %broadcast_in_dim3A_3 : vector<16xf32> to vector<1x16xf32>
      tpu.vector_store %arg8[%swap3A, %swap3A_29], %swap3A_32 {strides = array<i32>} : memref<128x64xf32, #tpu.memory_space<vmem>>, vector<1x16xf32>,
      %swap3A_33 = arith.index_cast %scan3A_28 : i32 to index
      %swap3A_34 = arith.constant 16 : index
      %swap3A_35 = tpu.vector_load %arg8[%swap3A_33, %swap3A_34] {strides = array<i32>} : memref<128x64xf32, #tpu.memory_space<vmem>>, vector<1x16xf32>,
      %swap3A_36 = vector.shape_cast %swap3A_35 : vector<1x16xf32> to vector<16xf32>
      %swap3A_37 = vector.shape_cast %broadcast_in_dim3A_3 : vector<16xf32> to vector<1x16xf32>
      tpu.vector_store %arg8[%swap3A_33, %swap3A_34], %swap3A_37 {strides = array<i32>} : memref<128x64xf32, #tpu.memory_space<vmem>>, vector<1x16xf32>,
      %swap3A_38 = arith.index_cast %scan3A_28 : i32 to index
      %swap3A_39 = arith.constant 32 : index
      %swap3A_40 = tpu.vector_load %arg8[%swap3A_38, %swap3A_39] {strides = array<i32>} : memref<128x64xf32, #tpu.memory_space<vmem>>, vector<1x16xf32>,
      %swap3A_41 = vector.shape_cast %swap3A_40 : vector<1x16xf32> to vector<16xf32>
      %swap3A_42 = vector.shape_cast %broadcast_in_dim3A_3 : vector<16xf32> to vector<1x16xf32>
      tpu.vector_store %arg8[%swap3A_38, %swap3A_39], %swap3A_42 {strides = array<i32>} : memref<128x64xf32, #tpu.memory_space<vmem>>, vector<1x16xf32>,
      %swap3A_43 = arith.index_cast %scan3A_28 : i32 to index
      %swap3A_44 = arith.constant 48 : index
      %swap3A_45 = tpu.vector_load %arg8[%swap3A_43, %swap3A_44] {strides = array<i32>} : memref<128x64xf32, #tpu.memory_space<vmem>>, vector<1x16xf32>,
      %swap3A_46 = vector.shape_cast %swap3A_45 : vector<1x16xf32> to vector<16xf32>
      %swap3A_47 = vector.shape_cast %broadcast_in_dim3A_3 : vector<16xf32> to vector<1x16xf32>
      tpu.vector_store %arg8[%swap3A_43, %swap3A_44], %swap3A_47 {strides = array<i32>} : memref<128x64xf32, #tpu.memory_space<vmem>>, vector<1x16xf32>,
      %scan3A_48 = arith.constant 1 : i32
      %scan3A_49 = arith.addi %scan3A_28, %scan3A_48 : i32
      %swap3A_50 = arith.index_cast %scan3A_49 : i32 to index
      %swap3A_51 = arith.constant 0 : index
      %swap3A_52 = tpu.vector_load %arg8[%swap3A_50, %swap3A_51] {strides = array<i32>} : memref<128x64xf32, #tpu.memory_space<vmem>>, vector<1x16xf32>,
      %swap3A_53 = vector.shape_cast %swap3A_52 : vector<1x16xf32> to vector<16xf32>
      %swap3A_54 = vector.shape_cast %broadcast_in_dim3A_3 : vector<16xf32> to vector<1x16xf32>
      tpu.vector_store %arg8[%swap3A_50, %swap3A_51], %swap3A_54 {strides = array<i32>} : memref<128x64xf32, #tpu.memory_space<vmem>>, vector<1x16xf32>,
      %swap3A_55 = arith.index_cast %scan3A_49 : i32 to index
      %swap3A_56 = arith.constant 16 : index
      %swap3A_57 = tpu.vector_load %arg8[%swap3A_55, %swap3A_56] {strides = array<i32>} : memref<128x64xf32, #tpu.memory_space<vmem>>, vector<1x16xf32>,
      %swap3A_58 = vector.shape_cast %swap3A_57 : vector<1x16xf32> to vector<16xf32>
      %swap3A_59 = vector.shape_cast %broadcast_in_dim3A_3 : vector<16xf32> to vector<1x16xf32>
      tpu.vector_store %arg8[%swap3A_55, %swap3A_56], %swap3A_59 {strides = array<i32>} : memref<128x64xf32, #tpu.memory_space<vmem>>, vector<1x16xf32>,
      %swap3A_60 = arith.index_cast %scan3A_49 : i32 to index
      %swap3A_61 = arith.constant 32 : index
      %swap3A_62 = tpu.vector_load %arg8[%swap3A_60, %swap3A_61] {strides = array<i32>} : memref<128x64xf32, #tpu.memory_space<vmem>>, vector<1x16xf32>,
      %swap3A_63 = vector.shape_cast %swap3A_62 : vector<1x16xf32> to vector<16xf32>
      %swap3A_64 = vector.shape_cast %broadcast_in_dim3A_3 : vector<16xf32> to vector<1x16xf32>
      tpu.vector_store %arg8[%swap3A_60, %swap3A_61], %swap3A_64 {strides = array<i32>} : memref<128x64xf32, #tpu.memory_space<vmem>>, vector<1x16xf32>,
      %swap3A_65 = arith.index_cast %scan3A_49 : i32 to index
      %swap3A_66 = arith.constant 48 : index
      %swap3A_67 = tpu.vector_load %arg8[%swap3A_65, %swap3A_66] {strides = array<i32>} : memref<128x64xf32, #tpu.memory_space<vmem>>, vector<1x16xf32>,
      %swap3A_68 = vector.shape_cast %swap3A_67 : vector<1x16xf32> to vector<16xf32>
      %swap3A_69 = vector.shape_cast %broadcast_in_dim3A_3 : vector<16xf32> to vector<1x16xf32>
      tpu.vector_store %arg8[%swap3A_65, %swap3A_66], %swap3A_69 {strides = array<i32>} : memref<128x64xf32, #tpu.memory_space<vmem>>, vector<1x16xf32>,
    }
    %scan3A_8 = arith.constant 128 : i32
    %dma_start3A = arith.constant 0 : i32
    %dma_start3A_9 = arith.constant 0 : i32
    %dma_start3A_10 = tpu.memref_slice %arg5[%dma_start3A, %dma_start3A_9] : memref<200x128xi32, #tpu.memory_space<vmem>> -> memref<1x128xi32, #tpu.memory_space<vmem>>
    %dma_start3A_11 = tpu.memref_squeeze %dma_start3A_10 : memref<1x128xi32, #tpu.memory_space<vmem>> -> memref<128xi32, #tpu.memory_space<vmem>>
    %dma_start3A_12 = arith.constant 0 : i32
    %dma_start3A_13 = arith.constant 0 : i32
    %dma_start3A_14 = tpu.memref_slice %arg3[%dma_start3A_12, %dma_start3A_13] : memref<1000000x64xf32, #tpu.memory_space<hbm>> -> memref<1000000x64xf32, #tpu.memory_space<hbm>>
    tpu.enqueue_indirect_dma source(%dma_start3A_14 : memref<1000000x64xf32, #tpu.memory_space<hbm>>) target(%arg6 : memref<128x64xf32, #tpu.memory_space<vmem>>) offsets(%dma_start3A_11 : memref<128xi32, #tpu.memory_space<vmem>>) semaphore(%arg9 : memref<!tpu.dma_semaphore, #tpu.memory_space<semaphore_mem>>)
    %dma_start3A_15 = arith.constant 1 : i32
    %dma_start3A_16 = arith.constant 0 : i32
    %dma_start3A_17 = tpu.memref_slice %arg5[%dma_start3A_15, %dma_start3A_16] : memref<200x128xi32, #tpu.memory_space<vmem>> -> memref<1x128xi32, #tpu.memory_space<vmem>>
    %dma_start3A_18 = tpu.memref_squeeze %dma_start3A_17 : memref<1x128xi32, #tpu.memory_space<vmem>> -> memref<128xi32, #tpu.memory_space<vmem>>
    %dma_start3A_19 = arith.constant 0 : i32
    %dma_start3A_20 = arith.constant 0 : i32
    %dma_start3A_21 = tpu.memref_slice %arg3[%dma_start3A_19, %dma_start3A_20] : memref<1000000x64xf32, #tpu.memory_space<hbm>> -> memref<1000000x64xf32, #tpu.memory_space<hbm>>
    tpu.enqueue_indirect_dma source(%dma_start3A_21 : memref<1000000x64xf32, #tpu.memory_space<hbm>>) target(%arg7 : memref<128x64xf32, #tpu.memory_space<vmem>>) offsets(%dma_start3A_18 : memref<128xi32, #tpu.memory_space<vmem>>) semaphore(%arg10 : memref<!tpu.dma_semaphore, #tpu.memory_space<semaphore_mem>>)
    %scan3A_22 = arith.constant 0 : i32
    %scan3A_23 = arith.constant 0 : i32
    %scan3A_24 = arith.constant 100 : i32
    %scan3A_25 = arith.addi %scan3A_23, %scan3A_24 : i32
    %scan3A_26 = arith.constant 1 : i32
    scf.for %scan3A_28 = %scan3A_23 to %scan3A_25 step %scan3A_26  : i32 {
      %mul3A_29 = arith.constant 2 : i32
      %mul3A_30 = arith.muli %mul3A_29, %scan3A_28 : i32
      %dma_wait3A = arith.constant 0 : i32
      %dma_wait3A_31 = arith.constant 0 : i32
      %dma_wait3A_32 = tpu.memref_slice %arg5[%dma_wait3A, %dma_wait3A_31] : memref<200x128xi32, #tpu.memory_space<vmem>> -> memref<1x128xi32, #tpu.memory_space<vmem>>
      %dma_wait3A_33 = tpu.memref_squeeze %dma_wait3A_32 : memref<1x128xi32, #tpu.memory_space<vmem>> -> memref<128xi32, #tpu.memory_space<vmem>>
      %dma_wait3A_34 = arith.constant 0 : i32
      %dma_wait3A_35 = arith.constant 0 : i32
      %dma_wait3A_36 = tpu.memref_slice %arg3[%dma_wait3A_34, %dma_wait3A_35] : memref<1000000x64xf32, #tpu.memory_space<hbm>> -> memref<1000000x64xf32, #tpu.memory_space<hbm>>
      tpu.wait_indirect_dma semaphore(%arg9 : memref<!tpu.dma_semaphore, #tpu.memory_space<semaphore_mem>>) src(%dma_wait3A_36 : memref<1000000x64xf32, #tpu.memory_space<hbm>>) dst(%arg6 : memref<128x64xf32, #tpu.memory_space<vmem>>)
      %scan3A_37 = arith.constant 0 : i32
      %scan3A_38 = arith.constant 0 : i32
      %scan3A_39 = arith.constant 64 : i32
      %scan3A_40 = arith.addi %scan3A_38, %scan3A_39 : i32
      %scan3A_41 = arith.constant 1 : i32
      scf.for %scan3A_67 = %scan3A_38 to %scan3A_40 step %scan3A_41  : i32 {
        %mul3A_68 = arith.constant 2 : i32
        %mul3A_69 = arith.muli %mul3A_68, %scan3A_67 : i32
        %add3A_70 = arith.constant 0 : i32
        %add3A_71 = arith.addi %mul3A_69, %add3A_70 : i32
        %get3A = arith.index_cast %add3A_71 : i32 to index
        %get3A_72 = arith.constant 0 : index
        %get3A_73 = tpu.vector_load %arg6[%get3A, %get3A_72] {strides = array<i32>} : memref<128x64xf32, #tpu.memory_space<vmem>>, vector<1x16xf32>,
        %get3A_74 = vector.shape_cast %get3A_73 : vector<1x16xf32> to vector<16xf32>
        %mul3A_75 = arith.constant 2 : i32
        %mul3A_76 = arith.muli %mul3A_75, %scan3A_67 : i32
        %add3A_77 = arith.constant 0 : i32
        %add3A_78 = arith.addi %mul3A_76, %add3A_77 : i32
        %swap3A = arith.index_cast %add3A_78 : i32 to index
        %swap3A_79 = arith.constant 0 : index
        %swap3A_80 = tpu.vector_load %arg8[%swap3A, %swap3A_79] {strides = array<i32>} : memref<128x64xf32, #tpu.memory_space<vmem>>, vector<1x16xf32>,
        %swap3A_81 = vector.shape_cast %swap3A_80 : vector<1x16xf32> to vector<16xf32>
        %swap3A_82 = vector.shape_cast %get3A_74 : vector<16xf32> to vector<1x16xf32>
        tpu.vector_store %arg8[%swap3A, %swap3A_79], %swap3A_82 {add = true, strides = array<i32>} : memref<128x64xf32, #tpu.memory_space<vmem>>, vector<1x16xf32>,
        %mul3A_83 = arith.constant 2 : i32
        %mul3A_84 = arith.muli %mul3A_83, %scan3A_67 : i32
        %add3A_85 = arith.constant 0 : i32
        %add3A_86 = arith.addi %mul3A_84, %add3A_85 : i32
        %get3A_87 = arith.index_cast %add3A_86 : i32 to index
        %get3A_88 = arith.constant 16 : index
        %get3A_89 = tpu.vector_load %arg6[%get3A_87, %get3A_88] {strides = array<i32>} : memref<128x64xf32, #tpu.memory_space<vmem>>, vector<1x16xf32>,
        %get3A_90 = vector.shape_cast %get3A_89 : vector<1x16xf32> to vector<16xf32>
        %mul3A_91 = arith.constant 2 : i32
        %mul3A_92 = arith.muli %mul3A_91, %scan3A_67 : i32
        %add3A_93 = arith.constant 0 : i32
        %add3A_94 = arith.addi %mul3A_92, %add3A_93 : i32
        %swap3A_95 = arith.index_cast %add3A_94 : i32 to index
        %swap3A_96 = arith.constant 16 : index
        %swap3A_97 = tpu.vector_load %arg8[%swap3A_95, %swap3A_96] {strides = array<i32>} : memref<128x64xf32, #tpu.memory_space<vmem>>, vector<1x16xf32>,
        %swap3A_98 = vector.shape_cast %swap3A_97 : vector<1x16xf32> to vector<16xf32>
        %swap3A_99 = vector.shape_cast %get3A_90 : vector<16xf32> to vector<1x16xf32>
        tpu.vector_store %arg8[%swap3A_95, %swap3A_96], %swap3A_99 {add = true, strides = array<i32>} : memref<128x64xf32, #tpu.memory_space<vmem>>, vector<1x16xf32>,
        %mul3A_100 = arith.constant 2 : i32
        %mul3A_101 = arith.muli %mul3A_100, %scan3A_67 : i32
        %add3A_102 = arith.constant 0 : i32
        %add3A_103 = arith.addi %mul3A_101, %add3A_102 : i32
        %get3A_104 = arith.index_cast %add3A_103 : i32 to index
        %get3A_105 = arith.constant 32 : index
        %get3A_106 = tpu.vector_load %arg6[%get3A_104, %get3A_105] {strides = array<i32>} : memref<128x64xf32, #tpu.memory_space<vmem>>, vector<1x16xf32>,
        %get3A_107 = vector.shape_cast %get3A_106 : vector<1x16xf32> to vector<16xf32>
        %mul3A_108 = arith.constant 2 : i32
        %mul3A_109 = arith.muli %mul3A_108, %scan3A_67 : i32
        %add3A_110 = arith.constant 0 : i32
        %add3A_111 = arith.addi %mul3A_109, %add3A_110 : i32
        %swap3A_112 = arith.index_cast %add3A_111 : i32 to index
        %swap3A_113 = arith.constant 32 : index
        %swap3A_114 = tpu.vector_load %arg8[%swap3A_112, %swap3A_113] {strides = array<i32>} : memref<128x64xf32, #tpu.memory_space<vmem>>, vector<1x16xf32>,
        %swap3A_115 = vector.shape_cast %swap3A_114 : vector<1x16xf32> to vector<16xf32>
        %swap3A_116 = vector.shape_cast %get3A_107 : vector<16xf32> to vector<1x16xf32>
        tpu.vector_store %arg8[%swap3A_112, %swap3A_113], %swap3A_116 {add = true, strides = array<i32>} : memref<128x64xf32, #tpu.memory_space<vmem>>, vector<1x16xf32>,
        %mul3A_117 = arith.constant 2 : i32
        %mul3A_118 = arith.muli %mul3A_117, %scan3A_67 : i32
        %add3A_119 = arith.constant 0 : i32
        %add3A_120 = arith.addi %mul3A_118, %add3A_119 : i32
        %get3A_121 = arith.index_cast %add3A_120 : i32 to index
        %get3A_122 = arith.constant 48 : index
        %get3A_123 = tpu.vector_load %arg6[%get3A_121, %get3A_122] {strides = array<i32>} : memref<128x64xf32, #tpu.memory_space<vmem>>, vector<1x16xf32>,
        %get3A_124 = vector.shape_cast %get3A_123 : vector<1x16xf32> to vector<16xf32>
        %mul3A_125 = arith.constant 2 : i32
        %mul3A_126 = arith.muli %mul3A_125, %scan3A_67 : i32
        %add3A_127 = arith.constant 0 : i32
        %add3A_128 = arith.addi %mul3A_126, %add3A_127 : i32
        %swap3A_129 = arith.index_cast %add3A_128 : i32 to index
        %swap3A_130 = arith.constant 48 : index
        %swap3A_131 = tpu.vector_load %arg8[%swap3A_129, %swap3A_130] {strides = array<i32>} : memref<128x64xf32, #tpu.memory_space<vmem>>, vector<1x16xf32>,
        %swap3A_132 = vector.shape_cast %swap3A_131 : vector<1x16xf32> to vector<16xf32>
        %swap3A_133 = vector.shape_cast %get3A_124 : vector<16xf32> to vector<1x16xf32>
        tpu.vector_store %arg8[%swap3A_129, %swap3A_130], %swap3A_133 {add = true, strides = array<i32>} : memref<128x64xf32, #tpu.memory_space<vmem>>, vector<1x16xf32>,
        %mul3A_134 = arith.constant 2 : i32
        %mul3A_135 = arith.muli %mul3A_134, %scan3A_67 : i32
        %add3A_136 = arith.constant 1 : i32
        %add3A_137 = arith.addi %mul3A_135, %add3A_136 : i32
        %get3A_138 = arith.index_cast %add3A_137 : i32 to index
        %get3A_139 = arith.constant 0 : index
        %get3A_140 = tpu.vector_load %arg6[%get3A_138, %get3A_139] {strides = array<i32>} : memref<128x64xf32, #tpu.memory_space<vmem>>, vector<1x16xf32>,
        %get3A_141 = vector.shape_cast %get3A_140 : vector<1x16xf32> to vector<16xf32>
        %mul3A_142 = arith.constant 2 : i32
        %mul3A_143 = arith.muli %mul3A_142, %scan3A_67 : i32
        %add3A_144 = arith.constant 1 : i32
        %add3A_145 = arith.addi %mul3A_143, %add3A_144 : i32
        %swap3A_146 = arith.index_cast %add3A_145 : i32 to index
        %swap3A_147 = arith.constant 0 : index
        %swap3A_148 = tpu.vector_load %arg8[%swap3A_146, %swap3A_147] {strides = array<i32>} : memref<128x64xf32, #tpu.memory_space<vmem>>, vector<1x16xf32>,
        %swap3A_149 = vector.shape_cast %swap3A_148 : vector<1x16xf32> to vector<16xf32>
        %swap3A_150 = vector.shape_cast %get3A_141 : vector<16xf32> to vector<1x16xf32>
        tpu.vector_store %arg8[%swap3A_146, %swap3A_147], %swap3A_150 {add = true, strides = array<i32>} : memref<128x64xf32, #tpu.memory_space<vmem>>, vector<1x16xf32>,
        %mul3A_151 = arith.constant 2 : i32
        %mul3A_152 = arith.muli %mul3A_151, %scan3A_67 : i32
        %add3A_153 = arith.constant 1 : i32
        %add3A_154 = arith.addi %mul3A_152, %add3A_153 : i32
        %get3A_155 = arith.index_cast %add3A_154 : i32 to index
        %get3A_156 = arith.constant 16 : index
        %get3A_157 = tpu.vector_load %arg6[%get3A_155, %get3A_156] {strides = array<i32>} : memref<128x64xf32, #tpu.memory_space<vmem>>, vector<1x16xf32>,
        %get3A_158 = vector.shape_cast %get3A_157 : vector<1x16xf32> to vector<16xf32>
        %mul3A_159 = arith.constant 2 : i32
        %mul3A_160 = arith.muli %mul3A_159, %scan3A_67 : i32
        %add3A_161 = arith.constant 1 : i32
        %add3A_162 = arith.addi %mul3A_160, %add3A_161 : i32
        %swap3A_163 = arith.index_cast %add3A_162 : i32 to index
        %swap3A_164 = arith.constant 16 : index
        %swap3A_165 = tpu.vector_load %arg8[%swap3A_163, %swap3A_164] {strides = array<i32>} : memref<128x64xf32, #tpu.memory_space<vmem>>, vector<1x16xf32>,
        %swap3A_166 = vector.shape_cast %swap3A_165 : vector<1x16xf32> to vector<16xf32>
        %swap3A_167 = vector.shape_cast %get3A_158 : vector<16xf32> to vector<1x16xf32>
        tpu.vector_store %arg8[%swap3A_163, %swap3A_164], %swap3A_167 {add = true, strides = array<i32>} : memref<128x64xf32, #tpu.memory_space<vmem>>, vector<1x16xf32>,
        %mul3A_168 = arith.constant 2 : i32
        %mul3A_169 = arith.muli %mul3A_168, %scan3A_67 : i32
        %add3A_170 = arith.constant 1 : i32
        %add3A_171 = arith.addi %mul3A_169, %add3A_170 : i32
        %get3A_172 = arith.index_cast %add3A_171 : i32 to index
        %get3A_173 = arith.constant 32 : index
        %get3A_174 = tpu.vector_load %arg6[%get3A_172, %get3A_173] {strides = array<i32>} : memref<128x64xf32, #tpu.memory_space<vmem>>, vector<1x16xf32>,
        %get3A_175 = vector.shape_cast %get3A_174 : vector<1x16xf32> to vector<16xf32>
        %mul3A_176 = arith.constant 2 : i32
        %mul3A_177 = arith.muli %mul3A_176, %scan3A_67 : i32
        %add3A_178 = arith.constant 1 : i32
        %add3A_179 = arith.addi %mul3A_177, %add3A_178 : i32
        %swap3A_180 = arith.index_cast %add3A_179 : i32 to index
        %swap3A_181 = arith.constant 32 : index
        %swap3A_182 = tpu.vector_load %arg8[%swap3A_180, %swap3A_181] {strides = array<i32>} : memref<128x64xf32, #tpu.memory_space<vmem>>, vector<1x16xf32>,
        %swap3A_183 = vector.shape_cast %swap3A_182 : vector<1x16xf32> to vector<16xf32>
        %swap3A_184 = vector.shape_cast %get3A_175 : vector<16xf32> to vector<1x16xf32>
        tpu.vector_store %arg8[%swap3A_180, %swap3A_181], %swap3A_184 {add = true, strides = array<i32>} : memref<128x64xf32, #tpu.memory_space<vmem>>, vector<1x16xf32>,
        %mul3A_185 = arith.constant 2 : i32
        %mul3A_186 = arith.muli %mul3A_185, %scan3A_67 : i32
        %add3A_187 = arith.constant 1 : i32
        %add3A_188 = arith.addi %mul3A_186, %add3A_187 : i32
        %get3A_189 = arith.index_cast %add3A_188 : i32 to index
        %get3A_190 = arith.constant 48 : index
        %get3A_191 = tpu.vector_load %arg6[%get3A_189, %get3A_190] {strides = array<i32>} : memref<128x64xf32, #tpu.memory_space<vmem>>, vector<1x16xf32>,
        %get3A_192 = vector.shape_cast %get3A_191 : vector<1x16xf32> to vector<16xf32>
        %mul3A_193 = arith.constant 2 : i32
        %mul3A_194 = arith.muli %mul3A_193, %scan3A_67 : i32
        %add3A_195 = arith.constant 1 : i32
        %add3A_196 = arith.addi %mul3A_194, %add3A_195 : i32
        %swap3A_197 = arith.index_cast %add3A_196 : i32 to index
        %swap3A_198 = arith.constant 48 : index
        %swap3A_199 = tpu.vector_load %arg8[%swap3A_197, %swap3A_198] {strides = array<i32>} : memref<128x64xf32, #tpu.memory_space<vmem>>, vector<1x16xf32>,
        %swap3A_200 = vector.shape_cast %swap3A_199 : vector<1x16xf32> to vector<16xf32>
        %swap3A_201 = vector.shape_cast %get3A_192 : vector<16xf32> to vector<1x16xf32>
        tpu.vector_store %arg8[%swap3A_197, %swap3A_198], %swap3A_201 {add = true, strides = array<i32>} : memref<128x64xf32, #tpu.memory_space<vmem>>, vector<1x16xf32>,
      }
      %scan3A_42 = arith.constant 64 : i32
      %add3A_43 = arith.constant 2 : i32
      %add3A_44 = arith.addi %mul3A_30, %add3A_43 : i32
      %lt3A = arith.constant 200 : i32
      %lt3A_45 = arith.cmpi slt, %add3A_44, %lt3A : i32
      %convert_element_type3A = arith.extui %lt3A_45 : i1 to i32
      %cond3A = arith.constant 0 : i32
      %cond3A_46 = arith.cmpi ne, %convert_element_type3A, %cond3A : i32
      scf.if %cond3A_46 {
        %add3A_67 = arith.constant 2 : i32
        %add3A_68 = arith.addi %mul3A_30, %add3A_67 : i32
        %dma_start3A_69 = arith.constant 0 : i32
        %dma_start3A_70 = tpu.memref_slice %arg5[%add3A_68, %dma_start3A_69] : memref<200x128xi32, #tpu.memory_space<vmem>> -> memref<1x128xi32, #tpu.memory_space<vmem>>
        %dma_start3A_71 = tpu.memref_squeeze %dma_start3A_70 : memref<1x128xi32, #tpu.memory_space<vmem>> -> memref<128xi32, #tpu.memory_space<vmem>>
        %dma_start3A_72 = arith.constant 0 : i32
        %dma_start3A_73 = arith.constant 0 : i32
        %dma_start3A_74 = tpu.memref_slice %arg3[%dma_start3A_72, %dma_start3A_73] : memref<1000000x64xf32, #tpu.memory_space<hbm>> -> memref<1000000x64xf32, #tpu.memory_space<hbm>>
        tpu.enqueue_indirect_dma source(%dma_start3A_74 : memref<1000000x64xf32, #tpu.memory_space<hbm>>) target(%arg6 : memref<128x64xf32, #tpu.memory_space<vmem>>) offsets(%dma_start3A_71 : memref<128xi32, #tpu.memory_space<vmem>>) semaphore(%arg9 : memref<!tpu.dma_semaphore, #tpu.memory_space<semaphore_mem>>)
      } else {
      }
      %dma_wait3A_47 = arith.constant 0 : i32
      %dma_wait3A_48 = arith.constant 0 : i32
      %dma_wait3A_49 = tpu.memref_slice %arg5[%dma_wait3A_47, %dma_wait3A_48] : memref<200x128xi32, #tpu.memory_space<vmem>> -> memref<1x128xi32, #tpu.memory_space<vmem>>
      %dma_wait3A_50 = tpu.memref_squeeze %dma_wait3A_49 : memref<1x128xi32, #tpu.memory_space<vmem>> -> memref<128xi32, #tpu.memory_space<vmem>>
      %dma_wait3A_51 = arith.constant 0 : i32
      %dma_wait3A_52 = arith.constant 0 : i32
      %dma_wait3A_53 = tpu.memref_slice %arg3[%dma_wait3A_51, %dma_wait3A_52] : memref<1000000x64xf32, #tpu.memory_space<hbm>> -> memref<1000000x64xf32, #tpu.memory_space<hbm>>
      tpu.wait_indirect_dma semaphore(%arg10 : memref<!tpu.dma_semaphore, #tpu.memory_space<semaphore_mem>>) src(%dma_wait3A_53 : memref<1000000x64xf32, #tpu.memory_space<hbm>>) dst(%arg7 : memref<128x64xf32, #tpu.memory_space<vmem>>)
      %scan3A_54 = arith.constant 0 : i32
      %scan3A_55 = arith.constant 0 : i32
      %scan3A_56 = arith.constant 64 : i32
      %scan3A_57 = arith.addi %scan3A_55, %scan3A_56 : i32
      %scan3A_58 = arith.constant 1 : i32
      scf.for %scan3A_67 = %scan3A_55 to %scan3A_57 step %scan3A_58  : i32 {
        %mul3A_68 = arith.constant 2 : i32
        %mul3A_69 = arith.muli %mul3A_68, %scan3A_67 : i32
        %add3A_70 = arith.constant 0 : i32
        %add3A_71 = arith.addi %mul3A_69, %add3A_70 : i32
        %get3A = arith.index_cast %add3A_71 : i32 to index
        %get3A_72 = arith.constant 0 : index
        %get3A_73 = tpu.vector_load %arg7[%get3A, %get3A_72] {strides = array<i32>} : memref<128x64xf32, #tpu.memory_space<vmem>>, vector<1x16xf32>,
        %get3A_74 = vector.shape_cast %get3A_73 : vector<1x16xf32> to vector<16xf32>
        %mul3A_75 = arith.constant 2 : i32
        %mul3A_76 = arith.muli %mul3A_75, %scan3A_67 : i32
        %add3A_77 = arith.constant 0 : i32
        %add3A_78 = arith.addi %mul3A_76, %add3A_77 : i32
        %swap3A = arith.index_cast %add3A_78 : i32 to index
        %swap3A_79 = arith.constant 0 : index
        %swap3A_80 = tpu.vector_load %arg8[%swap3A, %swap3A_79] {strides = array<i32>} : memref<128x64xf32, #tpu.memory_space<vmem>>, vector<1x16xf32>,
        %swap3A_81 = vector.shape_cast %swap3A_80 : vector<1x16xf32> to vector<16xf32>
        %swap3A_82 = vector.shape_cast %get3A_74 : vector<16xf32> to vector<1x16xf32>
        tpu.vector_store %arg8[%swap3A, %swap3A_79], %swap3A_82 {add = true, strides = array<i32>} : memref<128x64xf32, #tpu.memory_space<vmem>>, vector<1x16xf32>,
        %mul3A_83 = arith.constant 2 : i32
        %mul3A_84 = arith.muli %mul3A_83, %scan3A_67 : i32
        %add3A_85 = arith.constant 0 : i32
        %add3A_86 = arith.addi %mul3A_84, %add3A_85 : i32
        %get3A_87 = arith.index_cast %add3A_86 : i32 to index
        %get3A_88 = arith.constant 16 : index
        %get3A_89 = tpu.vector_load %arg7[%get3A_87, %get3A_88] {strides = array<i32>} : memref<128x64xf32, #tpu.memory_space<vmem>>, vector<1x16xf32>,
        %get3A_90 = vector.shape_cast %get3A_89 : vector<1x16xf32> to vector<16xf32>
        %mul3A_91 = arith.constant 2 : i32
        %mul3A_92 = arith.muli %mul3A_91, %scan3A_67 : i32
        %add3A_93 = arith.constant 0 : i32
        %add3A_94 = arith.addi %mul3A_92, %add3A_93 : i32
        %swap3A_95 = arith.index_cast %add3A_94 : i32 to index
        %swap3A_96 = arith.constant 16 : index
        %swap3A_97 = tpu.vector_load %arg8[%swap3A_95, %swap3A_96] {strides = array<i32>} : memref<128x64xf32, #tpu.memory_space<vmem>>, vector<1x16xf32>,
        %swap3A_98 = vector.shape_cast %swap3A_97 : vector<1x16xf32> to vector<16xf32>
        %swap3A_99 = vector.shape_cast %get3A_90 : vector<16xf32> to vector<1x16xf32>
        tpu.vector_store %arg8[%swap3A_95, %swap3A_96], %swap3A_99 {add = true, strides = array<i32>} : memref<128x64xf32, #tpu.memory_space<vmem>>, vector<1x16xf32>,
        %mul3A_100 = arith.constant 2 : i32
        %mul3A_101 = arith.muli %mul3A_100, %scan3A_67 : i32
        %add3A_102 = arith.constant 0 : i32
        %add3A_103 = arith.addi %mul3A_101, %add3A_102 : i32
        %get3A_104 = arith.index_cast %add3A_103 : i32 to index
        %get3A_105 = arith.constant 32 : index
        %get3A_106 = tpu.vector_load %arg7[%get3A_104, %get3A_105] {strides = array<i32>} : memref<128x64xf32, #tpu.memory_space<vmem>>, vector<1x16xf32>,
        %get3A_107 = vector.shape_cast %get3A_106 : vector<1x16xf32> to vector<16xf32>
        %mul3A_108 = arith.constant 2 : i32
        %mul3A_109 = arith.muli %mul3A_108, %scan3A_67 : i32
        %add3A_110 = arith.constant 0 : i32
        %add3A_111 = arith.addi %mul3A_109, %add3A_110 : i32
        %swap3A_112 = arith.index_cast %add3A_111 : i32 to index
        %swap3A_113 = arith.constant 32 : index
        %swap3A_114 = tpu.vector_load %arg8[%swap3A_112, %swap3A_113] {strides = array<i32>} : memref<128x64xf32, #tpu.memory_space<vmem>>, vector<1x16xf32>,
        %swap3A_115 = vector.shape_cast %swap3A_114 : vector<1x16xf32> to vector<16xf32>
        %swap3A_116 = vector.shape_cast %get3A_107 : vector<16xf32> to vector<1x16xf32>
        tpu.vector_store %arg8[%swap3A_112, %swap3A_113], %swap3A_116 {add = true, strides = array<i32>} : memref<128x64xf32, #tpu.memory_space<vmem>>, vector<1x16xf32>,
        %mul3A_117 = arith.constant 2 : i32
        %mul3A_118 = arith.muli %mul3A_117, %scan3A_67 : i32
        %add3A_119 = arith.constant 0 : i32
        %add3A_120 = arith.addi %mul3A_118, %add3A_119 : i32
        %get3A_121 = arith.index_cast %add3A_120 : i32 to index
        %get3A_122 = arith.constant 48 : index
        %get3A_123 = tpu.vector_load %arg7[%get3A_121, %get3A_122] {strides = array<i32>} : memref<128x64xf32, #tpu.memory_space<vmem>>, vector<1x16xf32>,
        %get3A_124 = vector.shape_cast %get3A_123 : vector<1x16xf32> to vector<16xf32>
        %mul3A_125 = arith.constant 2 : i32
        %mul3A_126 = arith.muli %mul3A_125, %scan3A_67 : i32
        %add3A_127 = arith.constant 0 : i32
        %add3A_128 = arith.addi %mul3A_126, %add3A_127 : i32
        %swap3A_129 = arith.index_cast %add3A_128 : i32 to index
        %swap3A_130 = arith.constant 48 : index
        %swap3A_131 = tpu.vector_load %arg8[%swap3A_129, %swap3A_130] {strides = array<i32>} : memref<128x64xf32, #tpu.memory_space<vmem>>, vector<1x16xf32>,
        %swap3A_132 = vector.shape_cast %swap3A_131 : vector<1x16xf32> to vector<16xf32>
        %swap3A_133 = vector.shape_cast %get3A_124 : vector<16xf32> to vector<1x16xf32>
        tpu.vector_store %arg8[%swap3A_129, %swap3A_130], %swap3A_133 {add = true, strides = array<i32>} : memref<128x64xf32, #tpu.memory_space<vmem>>, vector<1x16xf32>,
        %mul3A_134 = arith.constant 2 : i32
        %mul3A_135 = arith.muli %mul3A_134, %scan3A_67 : i32
        %add3A_136 = arith.constant 1 : i32
        %add3A_137 = arith.addi %mul3A_135, %add3A_136 : i32
        %get3A_138 = arith.index_cast %add3A_137 : i32 to index
        %get3A_139 = arith.constant 0 : index
        %get3A_140 = tpu.vector_load %arg7[%get3A_138, %get3A_139] {strides = array<i32>} : memref<128x64xf32, #tpu.memory_space<vmem>>, vector<1x16xf32>,
        %get3A_141 = vector.shape_cast %get3A_140 : vector<1x16xf32> to vector<16xf32>
        %mul3A_142 = arith.constant 2 : i32
        %mul3A_143 = arith.muli %mul3A_142, %scan3A_67 : i32
        %add3A_144 = arith.constant 1 : i32
        %add3A_145 = arith.addi %mul3A_143, %add3A_144 : i32
        %swap3A_146 = arith.index_cast %add3A_145 : i32 to index
        %swap3A_147 = arith.constant 0 : index
        %swap3A_148 = tpu.vector_load %arg8[%swap3A_146, %swap3A_147] {strides = array<i32>} : memref<128x64xf32, #tpu.memory_space<vmem>>, vector<1x16xf32>,
        %swap3A_149 = vector.shape_cast %swap3A_148 : vector<1x16xf32> to vector<16xf32>
        %swap3A_150 = vector.shape_cast %get3A_141 : vector<16xf32> to vector<1x16xf32>
        tpu.vector_store %arg8[%swap3A_146, %swap3A_147], %swap3A_150 {add = true, strides = array<i32>} : memref<128x64xf32, #tpu.memory_space<vmem>>, vector<1x16xf32>,
        %mul3A_151 = arith.constant 2 : i32
        %mul3A_152 = arith.muli %mul3A_151, %scan3A_67 : i32
        %add3A_153 = arith.constant 1 : i32
        %add3A_154 = arith.addi %mul3A_152, %add3A_153 : i32
        %get3A_155 = arith.index_cast %add3A_154 : i32 to index
        %get3A_156 = arith.constant 16 : index
        %get3A_157 = tpu.vector_load %arg7[%get3A_155, %get3A_156] {strides = array<i32>} : memref<128x64xf32, #tpu.memory_space<vmem>>, vector<1x16xf32>,
        %get3A_158 = vector.shape_cast %get3A_157 : vector<1x16xf32> to vector<16xf32>
        %mul3A_159 = arith.constant 2 : i32
        %mul3A_160 = arith.muli %mul3A_159, %scan3A_67 : i32
        %add3A_161 = arith.constant 1 : i32
        %add3A_162 = arith.addi %mul3A_160, %add3A_161 : i32
        %swap3A_163 = arith.index_cast %add3A_162 : i32 to index
        %swap3A_164 = arith.constant 16 : index
        %swap3A_165 = tpu.vector_load %arg8[%swap3A_163, %swap3A_164] {strides = array<i32>} : memref<128x64xf32, #tpu.memory_space<vmem>>, vector<1x16xf32>,
        %swap3A_166 = vector.shape_cast %swap3A_165 : vector<1x16xf32> to vector<16xf32>
        %swap3A_167 = vector.shape_cast %get3A_158 : vector<16xf32> to vector<1x16xf32>
        tpu.vector_store %arg8[%swap3A_163, %swap3A_164], %swap3A_167 {add = true, strides = array<i32>} : memref<128x64xf32, #tpu.memory_space<vmem>>, vector<1x16xf32>,
        %mul3A_168 = arith.constant 2 : i32
        %mul3A_169 = arith.muli %mul3A_168, %scan3A_67 : i32
        %add3A_170 = arith.constant 1 : i32
        %add3A_171 = arith.addi %mul3A_169, %add3A_170 : i32
        %get3A_172 = arith.index_cast %add3A_171 : i32 to index
        %get3A_173 = arith.constant 32 : index
        %get3A_174 = tpu.vector_load %arg7[%get3A_172, %get3A_173] {strides = array<i32>} : memref<128x64xf32, #tpu.memory_space<vmem>>, vector<1x16xf32>,
        %get3A_175 = vector.shape_cast %get3A_174 : vector<1x16xf32> to vector<16xf32>
        %mul3A_176 = arith.constant 2 : i32
        %mul3A_177 = arith.muli %mul3A_176, %scan3A_67 : i32
        %add3A_178 = arith.constant 1 : i32
        %add3A_179 = arith.addi %mul3A_177, %add3A_178 : i32
        %swap3A_180 = arith.index_cast %add3A_179 : i32 to index
        %swap3A_181 = arith.constant 32 : index
        %swap3A_182 = tpu.vector_load %arg8[%swap3A_180, %swap3A_181] {strides = array<i32>} : memref<128x64xf32, #tpu.memory_space<vmem>>, vector<1x16xf32>,
        %swap3A_183 = vector.shape_cast %swap3A_182 : vector<1x16xf32> to vector<16xf32>
        %swap3A_184 = vector.shape_cast %get3A_175 : vector<16xf32> to vector<1x16xf32>
        tpu.vector_store %arg8[%swap3A_180, %swap3A_181], %swap3A_184 {add = true, strides = array<i32>} : memref<128x64xf32, #tpu.memory_space<vmem>>, vector<1x16xf32>,
        %mul3A_185 = arith.constant 2 : i32
        %mul3A_186 = arith.muli %mul3A_185, %scan3A_67 : i32
        %add3A_187 = arith.constant 1 : i32
        %add3A_188 = arith.addi %mul3A_186, %add3A_187 : i32
        %get3A_189 = arith.index_cast %add3A_188 : i32 to index
        %get3A_190 = arith.constant 48 : index
        %get3A_191 = tpu.vector_load %arg7[%get3A_189, %get3A_190] {strides = array<i32>} : memref<128x64xf32, #tpu.memory_space<vmem>>, vector<1x16xf32>,
        %get3A_192 = vector.shape_cast %get3A_191 : vector<1x16xf32> to vector<16xf32>
        %mul3A_193 = arith.constant 2 : i32
        %mul3A_194 = arith.muli %mul3A_193, %scan3A_67 : i32
        %add3A_195 = arith.constant 1 : i32
        %add3A_196 = arith.addi %mul3A_194, %add3A_195 : i32
        %swap3A_197 = arith.index_cast %add3A_196 : i32 to index
        %swap3A_198 = arith.constant 48 : index
        %swap3A_199 = tpu.vector_load %arg8[%swap3A_197, %swap3A_198] {strides = array<i32>} : memref<128x64xf32, #tpu.memory_space<vmem>>, vector<1x16xf32>,
        %swap3A_200 = vector.shape_cast %swap3A_199 : vector<1x16xf32> to vector<16xf32>
        %swap3A_201 = vector.shape_cast %get3A_192 : vector<16xf32> to vector<1x16xf32>
        tpu.vector_store %arg8[%swap3A_197, %swap3A_198], %swap3A_201 {add = true, strides = array<i32>} : memref<128x64xf32, #tpu.memory_space<vmem>>, vector<1x16xf32>,
      }
      %scan3A_59 = arith.constant 64 : i32
      %add3A_60 = arith.constant 3 : i32
      %add3A_61 = arith.addi %mul3A_30, %add3A_60 : i32
      %lt3A_62 = arith.constant 200 : i32
      %lt3A_63 = arith.cmpi slt, %add3A_61, %lt3A_62 : i32
      %convert_element_type3A_64 = arith.extui %lt3A_63 : i1 to i32
      %cond3A_65 = arith.constant 0 : i32
      %cond3A_66 = arith.cmpi ne, %convert_element_type3A_64, %cond3A_65 : i32
      scf.if %cond3A_66 {
        %add3A_67 = arith.constant 3 : i32
        %add3A_68 = arith.addi %mul3A_30, %add3A_67 : i32
        %dma_start3A_69 = arith.constant 0 : i32
        %dma_start3A_70 = tpu.memref_slice %arg5[%add3A_68, %dma_start3A_69] : memref<200x128xi32, #tpu.memory_space<vmem>> -> memref<1x128xi32, #tpu.memory_space<vmem>>
        %dma_start3A_71 = tpu.memref_squeeze %dma_start3A_70 : memref<1x128xi32, #tpu.memory_space<vmem>> -> memref<128xi32, #tpu.memory_space<vmem>>
        %dma_start3A_72 = arith.constant 0 : i32
        %dma_start3A_73 = arith.constant 0 : i32
        %dma_start3A_74 = tpu.memref_slice %arg3[%dma_start3A_72, %dma_start3A_73] : memref<1000000x64xf32, #tpu.memory_space<hbm>> -> memref<1000000x64xf32, #tpu.memory_space<hbm>>
        tpu.enqueue_indirect_dma source(%dma_start3A_74 : memref<1000000x64xf32, #tpu.memory_space<hbm>>) target(%arg7 : memref<128x64xf32, #tpu.memory_space<vmem>>) offsets(%dma_start3A_71 : memref<128xi32, #tpu.memory_space<vmem>>) semaphore(%arg10 : memref<!tpu.dma_semaphore, #tpu.memory_space<semaphore_mem>>)
      } else {
      }
    }
    %scan3A_27 = arith.constant 100 : i32
    "tpu.region"() ({
      %run_scoped3A = tpu.sem_alloc : memref<!tpu.dma_semaphore, #tpu.memory_space<semaphore_mem>>
      %dma_start3A_28 = arith.constant 0 : i32
      %dma_start3A_29 = tpu.memref_slice %arg4[%mul3A_2, %dma_start3A_28] : memref<4096x64xf32, #tpu.memory_space<hbm>> -> memref<128x64xf32, #tpu.memory_space<hbm>>
      %dma_start3A_30 = arith.constant 0 : i32
      %dma_start3A_31 = tpu.memref_slice %arg4[%mul3A_2, %dma_start3A_30] : memref<4096x64xf32, #tpu.memory_space<hbm>> -> memref<128x64xf32, #tpu.memory_space<hbm>>
      tpu.enqueue_dma source(%arg8 : memref<128x64xf32, #tpu.memory_space<vmem>>) target(%dma_start3A_31 : memref<128x64xf32, #tpu.memory_space<hbm>>) target_semaphore(%run_scoped3A : memref<!tpu.dma_semaphore, #tpu.memory_space<semaphore_mem>>)
      %dma_wait3A = arith.constant 0 : i32
      %dma_wait3A_32 = tpu.memref_slice %arg4[%mul3A_2, %dma_wait3A] : memref<4096x64xf32, #tpu.memory_space<hbm>> -> memref<128x64xf32, #tpu.memory_space<hbm>>
      %dma_wait3A_33 = arith.constant 0 : i32
      %dma_wait3A_34 = tpu.memref_slice %arg4[%mul3A_2, %dma_wait3A_33] : memref<4096x64xf32, #tpu.memory_space<hbm>> -> memref<128x64xf32, #tpu.memory_space<hbm>>
      tpu.wait_dma2 semaphore(%run_scoped3A : memref<!tpu.dma_semaphore, #tpu.memory_space<semaphore_mem>>) src(%arg8 : memref<128x64xf32, #tpu.memory_space<vmem>>) dst(%dma_wait3A_34 : memref<128x64xf32, #tpu.memory_space<hbm>>)
      tpu.yield
    }) : () -> ()
    return
  }
}

module attributes {stable_mosaic.version = 14 : i64} {
  func.func @_mm_body(%arg0: memref<4096x64xf32, #tpu.memory_space<vmem>>, %arg1: memref<5x64xf32, #tpu.memory_space<vmem>>, %arg2: memref<1x5xf32, #tpu.memory_space<vmem>>, %arg3: memref<4096x5xf32, #tpu.memory_space<vmem>>) attributes {dimension_semantics = [], scalar_prefetch = 0 : i64, scratch_operands = 0 : i64, tpu.core_type = #tpu.core_type<tc>} {
    %get3A = arith.constant 0 : index
    %get3A_0 = arith.constant 0 : index
    %get3A_1 = vector.load %arg0[%get3A, %get3A_0] : memref<4096x64xf32, #tpu.memory_space<vmem>>, vector<4096x64xf32>
    %get3A_2 = arith.constant 0 : index
    %get3A_3 = arith.constant 0 : index
    %get3A_4 = vector.load %arg1[%get3A_2, %get3A_3] : memref<5x64xf32, #tpu.memory_space<vmem>>, vector<5x64xf32>
    %dot_general3A = arith.constant dense<0.000000e+00> : vector<4096x5xf32>
    %dot_general3A_5 = tpu.matmul %get3A_1, %get3A_4, %dot_general3A {dimension_numbers = #tpu.dot_dimension_numbers<[1], [1], [0], [0], [0, 0, 1, 0], [], []>, transpose_lhs_hint = false} : vector<4096x64xf32>, vector<5x64xf32>, vector<4096x5xf32> -> vector<4096x5xf32>
    %mul3A = arith.constant 5.000000e-03 : f32
    %mul3A_6 = vector.broadcast %mul3A : f32 to vector<4096x5xf32>
    %mul3A_7 = arith.mulf %dot_general3A_5, %mul3A_6 : vector<4096x5xf32>
    %get3A_8 = arith.constant 0 : index
    %get3A_9 = arith.constant 0 : index
    %get3A_10 = vector.load %arg2[%get3A_8, %get3A_9] : memref<1x5xf32, #tpu.memory_space<vmem>>, vector<1x5xf32>
    %add3A = vector.broadcast %get3A_10 : vector<1x5xf32> to vector<4096x5xf32>
    %add3A_11 = arith.addf %mul3A_7, %add3A : vector<4096x5xf32>
    %swap3A = arith.constant 0 : index
    %swap3A_12 = arith.constant 0 : index
    %swap3A_13 = vector.load %arg3[%swap3A, %swap3A_12] : memref<4096x5xf32, #tpu.memory_space<vmem>>, vector<4096x5xf32>
    tpu.vector_store %arg3[%swap3A, %swap3A_12], %add3A_11 {strides = array<i32>} : memref<4096x5xf32, #tpu.memory_space<vmem>>, vector<4096x5xf32>,
    return
  }
}

</mosaic_0001>

<sc_bundles>
// kernel: kernel.4.cloned.1.call-start
scs
__scs_entry_jumppad:
0x0: {  	(pc) =	sbr.rel $0x88, $3  }
0x1: {  	(tag) =	ssettag $0x0;
	lr =	simm.s32 $0x1  }
0x2: {  	[smem:$0x3F9D] =	sst lr;
	_ =	strace $0xD0000000  }
0x3: {  	_ = 	snop  }
0x4: {  	_ = 	snop  }
0x5: {  	_ = 	snop  }
0x6: {  	_ = 	snop  }
0x7: {  	_ = 	snop  }
__scs_overlays_trampoline_lowered:
0x8: {  	[smem:$0x3FAC] =	sst s0  }
0x9: {  	[smem:$0x3FAD] =	sst s1  }
0xa: {  	[smem:$0x3FAE] =	sst s2  }
0xb: {  	[smem:$0x3FAF] =	sst s3  }
0xc: {  	[smem:$0x3FB0] =	sst s4  }
0xd: {  	[smem:$0x3FB1] =	sst s5  }
0xe: {  	[smem:$0x3FB2] =	sst s6  }
0xf: {  	[smem:$0x3FB3] =	sst s7  }
0x10: {  	[smem:$0x3FB4] =	sst s8  }
0x11: {  	[smem:$0x3FB5] =	sst s9;
	s0 =	simm.s32 @!p0 $0x0  }
0x12: {  	s1 =	sld [smem:$0x3F9B];
	s0 =	simm.s32 @p0 $0x1  }
0x13: {  	[smem:$0x3FB6] =	sst s0;
	s0 =	simm.s32 @!p1 $0x0  }
0x14: {  	s2 =	sld [smem:$0x3F9A];
	s0 =	simm.s32 @p1 $0x1  }
0x15: {  	[smem:$0x3FB7] =	sst s0;
	s0 =	simm.s32 @!p2 $0x0  }
0x16: {  	s3 =	sld [smem:$0x3FDB];
	s0 =	simm.s32 @p2 $0x1  }
0x17: {  	s4 =	simm.s32 $0x1BF5;
	[smem:$0x3FB9] =	sst s0  }
0x18: {  	s0 =	sld [smem:$0x3F9C];
	_ =	swait.ge [sflag:s4], $0x0  }
0x19: {  	s7 =	sld [smem:$0x3F9D]  }
0x1a: {  	s8 =	sadd.s32 $0xFFFFE003, lr  }
0x1b: {  	s9 =	sadd.s32 $0xFFFFFEF7, lr;
	s5 =	simm.s32 $0xFFFFFFFF;
	p2 =	slt.u32 s8, $0xFFFFF086  }
0x1c: {  	p1 =	slt.u32 s9, $0xF7A;
	s5 =	simm.s32 @!p2 $0x0  }
0x1d: {  	s5 =	simm.s32 @p1 $0x1;
	p0 =	seq.s32 s7, s2  }
0x1e: {  	s7 =	smul.u32 @!p0 $0xF7A, s2;
	p2 =	seq.s32 @!p0 s5, $0x0  }
0x1f: {  	s9 =	smul.u32 $0xF7A, s1;
	s8 =	simm.s32 @!p0 $0x1BF5;
	p2 =	por !p2, p0  }
0x20: {  	[sflag:s8] =	ssyncset.s32 @!p0 $0xFFFFF086;
	s6 =	sadd.s32 @!p0 s3, s7;
	s7 =	simm.s32 @!p0 $0x108  }
0x21: {  	s3 =	sadd.s32 s3, s9;
	s6 =	sadd.s32 @!p0 $0x88, s6;
	s7 =	simm.s32 @p2 $0x1082  }
0x22: {  	[simem:s7], [sflag:s8] =	dma.local @!p0 [hbm:s6], $0xF7A  }
0x23: {  	s9 =	sor.u32 $0xD0000000, s2;
	s6 =	simm.s32 $0x108;
	_ =	swait.ge @!p0 [sflag:s8], $0x0  }
0x24: {  	s3 =	sadd.s32 $0x88, s3;
	s6 =	simm.s32 @!p1 $0x1082;
	[sflag:s4] =	ssyncset.s32 $0xFFFFF086  }
0x25: {  	[simem:s6], [sflag:s4] =	dma.local [hbm:s3], $0xF7A  }
0x26: {  	[smem:$0x3F9D] =	sst s1;
	(tag) =	ssettag s2;
	_ =	strace s9  }
0x27: {  	s1 =	sld [smem:$0x3FAD]  }
0x28: {  	s2 =	sld [smem:$0x3FAE]  }
0x29: {  	s4 =	sld [smem:$0x3FB0]  }
0x2a: {  	p0 =	seq.s32 s5, $0x0;
	s5 =	sld [smem:$0x3FB1]  }
0x2b: {  	s6 =	sld [smem:$0x3FB2]  }
0x2c: {  	s7 =	sld [smem:$0x3FB3]  }
0x2d: {  	s3 =	simm.s32 $0x108;
	s8 =	sld [smem:$0x3FB4]  }
0x2e: {  	s3 =	simm.s32 @!p0 $0x1082;
	s9 =	sld [smem:$0x3FB5]  }
0x2f: {  	lr =	sadd.s32 s0, s3;
	s0 =	sld [smem:$0x3FAC]  }
0x30: {  	s3 =	sld [smem:$0x3FAF]  }
0x31: {  	[smem:$0x3FB8] =	sst s10  }
0x32: {  	s10 =	sld [smem:$0x3FB6];
	_ =	sdelay $0x3  }
0x33: {  	p0 =	seq.s32 s10, $0x1;
	s10 =	sld [smem:$0x3FB8];
	_ =	sdelay $0x3  }
0x34: {  	[smem:$0x3FB8] =	sst s10  }
0x35: {  	s10 =	sld [smem:$0x3FB7];
	_ =	sdelay $0x3  }
0x36: {  	p1 =	seq.s32 s10, $0x1;
	s10 =	sld [smem:$0x3FB8];
	_ =	sdelay $0x3  }
0x37: {  	[smem:$0x3FB8] =	sst s10  }
0x38: {  	s10 =	sld [smem:$0x3FB9]  }
0x39: {  	_ = 	snop;
	(pc) =	sbr.ind lr, $3  }
0x3a: {  	_ = 	snop  }
0x3b: {  	_ = 	snop  }
0x3c: {  	p2 =	seq.s32 s10, $0x1;
	s10 =	sld [smem:$0x3FB8]  }
0x3d: {  	_ =	shalt  }
0x3e: {  	_ =	shalt  }
0x3f: {  	_ =	shalt  }
0x40: {  	_ =	shalt  }
0x41: {  	_ =	shalt  }
0x42: {  	_ =	shalt  }
0x43: {  	_ =	shalt  }
0x44: {  	_ =	shalt  }
0x45: {  	_ =	shalt  }
0x46: {  	_ =	shalt  }
0x47: {  	_ =	shalt  }
0x48: {  	_ =	shalt  }
0x49: {  	_ =	shalt  }
0x4a: {  	_ =	shalt  }
0x4b: {  	_ =	shalt  }
0x4c: {  	_ =	shalt  }
0x4d: {  	_ =	shalt  }
0x4e: {  	_ =	shalt  }
0x4f: {  	_ =	shalt  }
0x50: {  	_ =	shalt  }
0x51: {  	_ =	shalt  }
0x52: {  	_ =	shalt  }
0x53: {  	_ =	shalt  }
0x54: {  	_ =	shalt  }
0x55: {  	_ =	shalt  }
0x56: {  	_ =	shalt  }
0x57: {  	_ =	shalt  }
0x58: {  	_ =	shalt  }
0x59: {  	_ =	shalt  }
0x5a: {  	_ =	shalt  }
0x5b: {  	_ =	shalt  }
0x5c: {  	_ =	shalt  }
0x5d: {  	_ =	shalt  }
0x5e: {  	_ =	shalt  }
0x5f: {  	_ =	shalt  }
0x60: {  	_ =	shalt  }
0x61: {  	_ =	shalt  }
0x62: {  	_ =	shalt  }
0x63: {  	_ =	shalt  }
0x64: {  	_ =	shalt  }
0x65: {  	_ =	shalt  }
0x66: {  	_ =	shalt  }
0x67: {  	_ =	shalt  }
0x68: {  	_ =	shalt  }
0x69: {  	_ =	shalt  }
0x6a: {  	_ =	shalt  }
0x6b: {  	_ =	shalt  }
0x6c: {  	_ =	shalt  }
0x6d: {  	_ =	shalt  }
0x6e: {  	_ =	shalt  }
0x6f: {  	_ =	shalt  }
0x70: {  	_ =	shalt  }
0x71: {  	_ =	shalt  }
0x72: {  	_ =	shalt  }
0x73: {  	_ =	shalt  }
0x74: {  	_ =	shalt  }
0x75: {  	_ =	shalt  }
0x76: {  	_ =	shalt  }
0x77: {  	_ =	shalt  }
0x78: {  	_ =	shalt  }
0x79: {  	_ =	shalt  }
0x7a: {  	_ =	shalt  }
0x7b: {  	_ =	shalt  }
0x7c: {  	_ =	shalt  }
0x7d: {  	_ =	shalt  }
0x7e: {  	_ =	shalt  }
0x7f: {  	_ =	shalt  }
0x80: {  	_ =	shalt  }
0x81: {  	_ =	shalt  }
0x82: {  	_ =	shalt  }
0x83: {  	_ =	shalt  }
0x84: {  	_ =	shalt  }
0x85: {  	_ =	shalt  }
0x86: {  	_ =	shalt  }
0x87: {  	_ =	shalt  }
.Lfunc_end0:
.L_simem_size_0:
called_computation_lowered:
.L_overlay_start_0:
0x88: {  	s2 =	sld [smem:$0x3FD9]  }
0x89: {  	s3 =	sld [smem:$0x3FFE];
	_ =	sdelay $0x1  }
0x8a: {  	s1 =	srdreg.scid  }
0x8b: {  	s0 =	sand.u32 $0x1, s1  }
0x8c: {  	s16 =	sshll.u32 s0, $0xA;
	s2 =	sadd.s32 s3, s2  }
0x8d: {  	s2 =	sadd.s32 s2, s16  }
0x8e: {  	[smem:$0x3FC4] =	sst s2  }
0x8f: {  	_ = 	snop  }
0x90: {  	(tm) =	ssettm $0x1  }
0x91: {  	s17 =	sld [smem:$0x3FFB];
	_ =	sdelay $0x3  }
0x92: {  	_ =	strace s17  }
0x93: {  	s2 =	sld [smem:$0x3FFC];
	_ =	sdelay $0x3  }
0x94: {  	_ =	strace s2  }
0x95: {  	s2 =	sld [smem:$0x3FFD];
	_ =	sdelay $0x3  }
0x96: {  	_ =	strace s2  }
0x97: {  	_ =	strace $0x8FFFFFFF  }
0x98: {  	s18 =	sld [smem:$0x3FDB];
	_ =	sdelay $0x1  }
0x99: {  	s19 =	simm.s32 $_scs_section_size  }
0x9a: {  	s4 =	simm.s32 $_size__tile_overlayer_lowered;
	s5 =	simm.s32 $_tile_overlayer_lowered  }
0x9b: {  	s22 =	simm.s32 $0x1BFF;
	s21 =	sshll.u32 s5, $0x1;
	s2 =	sadd.s32 s19, s18  }
0x9c: {  	s6 =	simm.s32 $0x0;
	s20 =	sshll.u32 s4, $0x1;
	s4 =	sadd.s32 s21, s2  }
0x9d: {  	[timem:s6], [sflag:s22] =	dma.local [hbm:s4], s20  }
0x9e: {  	_ =	swait.ge [sflag:s22], s20  }
0x9f: {  	s3 =	ssub.s32 $0x0, s20;
	[sflag:s22] =	ssyncset.done $0x0  }
0xa0: {  	[sflag:s22] =	ssyncadd.s32 s3;
	_ =	sdelay $0x1  }
0xa1: {  	s23 =	simm.s32 $0x1B8B  }
0xa2: {  	_ =	swait.ge [sflag:s23], $0x1  }
0xa3: {  	[sflag:s23] =	ssyncset.done $0x0  }
0xa4: {  	s25 =	simm.s32 $0x1B8E;
	s24 =	sld [smem:$0x3FFE];
	[sflag:s23] =	ssyncadd.s32 $0xFFFFFFFF  }
0xa5: {  	s26 =	simm.s32 $execute0_lowered;
	[smem:$0x3FD2] =	sst s25  }
0xa6: {  	s4 =	sshll.u32 s26, $0x1;
	_ =	strace $0x80000046;
	[dreg:$0x1] =	wrdreg $0xFFFFFFFF  }
0xa7: {  	s28 =	simm.s32 $_size_execute0_lowered;
	s2 =	sadd.s32 s2, s4;
	[dreg:$0x0] =	wrdreg $0x0  }
0xa8: {  	s4 =	sshll.u32 s28, $0x1;
	[dreg:$0x2] =	wrdreg s2  }
0xa9: {  	[dreg:$0x3] =	wrdreg s4  }
0xaa: {  	[dreg:$0x4] =	wrdreg $0xC0  }
0xab: {  	_ =	task [dreg:s6], $0x5FFFF  }
0xac: {  	[dreg:$0x1] =	wrdreg $0xFFFFFFFF  }
0xad: {  	[dreg:$0x0] =	wrdreg $0x60  }
0xae: {  	[dreg:$0x2] =	wrdreg s24  }
0xaf: {  	[dreg:$0x3] =	wrdreg $0x9  }
0xb0: {  	_ =	task.clear_ibuf [dreg:s6], $0x4FFFF;
	_ =	strace $0x90000046  }
0xb1: {  	s29 =	simm.s32 $0x9;
	_ =	strace $0x80000048  }
0xb2: {  	_ =	swait.ge [sflag:s29], $0x1  }
0xb3: {  	[sflag:s29] =	ssyncadd.s32 $0xFFFFFFFF  }
0xb4: {  	_ =	strace $0x90000048  }
0xb5: {  	_ =	sfence  }
0xb6: {  	s30 =	sld [smem:$0x0];
	_ =	sdelay $0x2  }
0xb7: {  	s31 =	sshll.u32 s1, $0xD;
	s1 =	sshrl.u32 s1, $0x2  }
0xb8: {  	s3 =	sand.u32 $0x4000, s31;
	s1 =	sadd.s32 s1, s30  }
0xb9: {  	s0 =	sor.u32 s3, s0;
	s1 =	sshll.u32 s1, $0x11  }
0xba: {  	s0 =	sor.u32 s1, s0  }
0xbb: {  	s0 =	sadd.s32 $0x8F2B, s0  }
0xbc: {  	[sflag:s0] =	ssyncadd.remote.s32 $0x1  }
0xbd: {  	_ =	sfence.sel $0xFFFF  }
0xbe: {  	[dreg:$0x0] =	wrdreg $0xFFFFFFFF;
	(pc) =	sbr.abs _section_cstart, $3  }
0xbf: {  	[dreg:$0x1] =	wrdreg $0xFFFFFFFF  }
0xc0: {  	_ =	task.clear_ibuf [dreg:s6], $0x2FFFF;
	_ =	strace $0x9FFFFFFF  }
0xc1: {  	(tm) =	ssettm $0x7FFFFFFF  }
tec
execute0_lowered:
.L_overlay_start_1:
0x0: {  	(tag) =	ssettag $0x1  }
0x1: {  	s4 =	rddreg [dreg:$0x0];
	s2 =	srdreg.scid  }
0x2: {  	s0 =	rddreg [dreg:$0x1];
	s1 =	stileid.u32;
	s9 =	simm.s32 $0x3  }
0x3: {  	s10 =	simm.s32 $0x6400;
	s11 =	simm.s32 $0x8400;
	s12 =	simm.s32 $0x1  }
0x4: {  	s13 =	simm.s32 $0x2;
	s14 =	simm.s32 $0xA400;
	s15 =	simm.s32 $0x0  }
0x5: {  	s3 =	sand.u32 $0x1, s2;
	s2 =	simm.s32 $0x0;
	s5 =	sshll.u32 s1, $0x8  }
0x6: {  	s6 =	sshll.u32 s3, $0x7;
	[smem:$0x7FF] =	sst s2;
	s7 =	ssub.s32 $0x2, s3  }
.Ltmp0:
0x7: {  	s3 =	sadd.s32 $0xF42E00, s4;
	s5 =	sor.u32 s6, s5;
	(pc) =	sbr.rel .LBB2_1-.Ltmp0, $4  }
0x8: {  	_ =	strace $0x80000047;
	s8 =	sshrl.u32 s7, $0x1;
	s6 =	sshrl.u32 s5, $0x3  }
0x9: {  	s5 =	sshll.u32 s5, $0x3;
	s7 =	ssub.s32 s7, s8;
	s6 =	sadd.s32 s6, s4  }
0xa: {  	s8 =	simm.s32 $0x1000;
	s5 =	sadd.s32 s5, s4;
	s4 =	sadd.s32 $0xA00, s6  }
0xb: {  	v0 =	vimm.f32 $0.0e+00;
	s5 =	sadd.s32 $0x19A00, s5;
	s6 =	smax.u32 s7, $0x1;
	s7 =	simm.s32 $0x80  }
.LBB2_10:
0xc: {  	s15 =	sadd.s32 $0x1, s15  }
0xd: {  	p0 =	sne.s32 s15, s6  }
.Ltmp1:
0xe: {  	_ = 	snop;
	(pc) =	sbr.rel @!p0 .LBB2_11-.Ltmp1, $4  }
0xf: {  	[hbm4b:s5+s2] =	stream.linear.scatter [tilespmem:s14], [sflag:$0x3], $0x2000, $0x38;
	[tilespmem:$0xC400] =	vst v63  }
0x10: {  	_ =	swait.ge [sflag:s9], $0x2000  }
0x11: {  	[sflag:s9] =	ssyncset.done $0x0  }
0x12: {  	[sflag:s9] =	ssyncadd.s32 $0xFFFFE000  }
.LBB2_1:
0x13: {  	[tilespmem:s2], [sflag:$0x3] =	stream.strided.gather [hbm4b:s4+s7], $0x6400, s8, s7, $0x38;
	[tilespmem:$0xC400] =	vst v63  }
0x14: {  	_ =	swait.ge [sflag:s9], $0x6400  }
0x15: {  	[sflag:s9] =	ssyncset.done $0x0  }
0x16: {  	s16 =	simm.s32 $0xA440;
	[sflag:s9] =	ssyncadd.s32 $0xFFFF9C00  }
0x17: {  	[tilespmem:s16+$0xFFFFFFC0] =	vst v0  }
0x18: {  	[tilespmem:s16+$0x30] =	vst v0  }
0x19: {  	[tilespmem:s16+$0x20] =	vst v0  }
0x1a: {  	[tilespmem:s16+$0x10] =	vst v0  }
0x1b: {  	[tilespmem:s16+$0x0] =	vst v0  }
0x1c: {  	[tilespmem:s16+$0xFFFFFFF0] =	vst v0  }
0x1d: {  	s17 =	simm.s32 $0x0;
	[tilespmem:s16+$0xFFFFFFE0] =	vst v0  }
.LBB2_2:
0x1e: {  	s17 =	sadd.s32 $0x2, s17;
	[tilespmem:s16+$0xFFFFFFD0] =	vst v0;
	s16 =	sadd.s32 $0x80, s16  }
0x1f: {  	[tilespmem:s16+$0xFFFFFFC0] =	vst v0;
	p0 =	slt.u32 s17, $0x7E  }
0x20: {  	[tilespmem:s16+$0x30] =	vst v0  }
.Ltmp2:
0x21: {  	[tilespmem:s16+$0x20] =	vst v0;
	(pc) =	sbr.rel @p0 .LBB2_2-.Ltmp2, $4  }
0x22: {  	[tilespmem:s16+$0x10] =	vst v0  }
0x23: {  	[tilespmem:s16+$0x0] =	vst v0  }
0x24: {  	[tilespmem:s16+$0xFFFFFFF0] =	vst v0  }
0x25: {  	[tilespmem:s16+$0xFFFFFFE0] =	vst v0  }
0x26: {  	[tilespmem:s16+$0xFFFFFFD0] =	vst v0;
	s16 =	simm.s32 $0x0  }
0x27: {  	[tilespmem:s10], [sflag:$0x1] =	stream.indirect.gather [hbm4b:s3+s7], $0x40, s16, s7, $0xb8;
	[tilespmem:$0xC400] =	vst v63  }
0x28: {  	_ = 	snop  }
0x29: {  	[tilespmem:s11], [sflag:$0x2] =	stream.indirect.gather [hbm4b:s3+s7], $0x40, s7, s7, $0xb8;
	[tilespmem:$0xC400] =	vst v63  }
.LBB2_4:
0x2a: {  	_ =	swait.ge [sflag:s12], $0x2000  }
0x2b: {  	[sflag:s12] =	ssyncset.done $0x0  }
0x2c: {  	s18 =	simm.s32 $0x0;
	s17 =	simm.s32 $0x200;
	[sflag:s12] =	ssyncadd.s32 $0xFFFFE000  }
.LBB2_5:
0x2d: {  	p0 =	sne.s32 s17, $0x7E00;
	v1 =	vld [tilespmem:s18+$0x6470]  }
0x2e: {  	v2 =	vld [tilespmem:s18+$0x6400]  }
0x2f: {  	v3 =	vld [tilespmem:s18+$0x6410]  }
0x30: {  	v4 =	vld [tilespmem:s18+$0x6420]  }
0x31: {  	v5 =	vld [tilespmem:s18+$0x6430]  }
0x32: {  	[tilespmem:s18+$0xA470] =	vst.add.f32.msk $0xffff, v1  }
0x33: {  	v1 =	vld [tilespmem:s18+$0x6440]  }
0x34: {  	v6 =	vld [tilespmem:s18+$0x6450]  }
0x35: {  	v7 =	vld [tilespmem:s18+$0x6460]  }
0x36: {  	[tilespmem:s18+$0xA400] =	vst.add.f32.msk $0xffff, v2  }
0x37: {  	[tilespmem:s18+$0xA410] =	vst.add.f32.msk $0xffff, v3  }
.Ltmp3:
0x38: {  	[tilespmem:s18+$0xA420] =	vst.add.f32.msk $0xffff, v4;
	(pc) =	sbr.rel @p0 .LBB2_5-.Ltmp3, $4  }
0x39: {  	[tilespmem:s18+$0xA430] =	vst.add.f32.msk $0xffff, v5  }
0x3a: {  	[tilespmem:s18+$0xA440] =	vst.add.f32.msk $0xffff, v1  }
0x3b: {  	[tilespmem:s18+$0xA450] =	vst.add.f32.msk $0xffff, v6  }
0x3c: {  	[tilespmem:s18+$0xA460] =	vst.add.f32.msk $0xffff, v7;
	s18 =	sshra.s32 s17, $0x2;
	s17 =	sadd.s32 $0x200, s17  }
0x3d: {  	v1 =	vld [tilespmem:s18+$0x6470]  }
0x3e: {  	v2 =	vld [tilespmem:s18+$0x6400]  }
0x3f: {  	v3 =	vld [tilespmem:s18+$0x6410]  }
0x40: {  	v4 =	vld [tilespmem:s18+$0x6420]  }
0x41: {  	v5 =	vld [tilespmem:s18+$0x6430]  }
0x42: {  	v6 =	vld [tilespmem:s18+$0x6450]  }
0x43: {  	v7 =	vld [tilespmem:s18+$0x6460]  }
0x44: {  	[tilespmem:s18+$0xA470] =	vst.add.f32.msk $0xffff, v1  }
0x45: {  	v1 =	vld [tilespmem:s18+$0x6440]  }
0x46: {  	[tilespmem:s18+$0xA400] =	vst.add.f32.msk $0xffff, v2  }
0x47: {  	[tilespmem:s18+$0xA410] =	vst.add.f32.msk $0xffff, v3  }
0x48: {  	[tilespmem:s18+$0xA420] =	vst.add.f32.msk $0xffff, v4  }
0x49: {  	[tilespmem:s18+$0xA430] =	vst.add.f32.msk $0xffff, v5  }
0x4a: {  	s17 =	sshll.u32 s16, $0xA;
	p0 =	seq.s32 s16, $0x63;
	[tilespmem:s18+$0xA450] =	vst.add.f32.msk $0xffff, v6  }
0x4b: {  	s19 =	sshrl.u32 @!p0 s17, $0x2;
	[tilespmem:s18+$0xA460] =	vst.add.f32.msk $0xffff, v7  }
0x4c: {  	s20 =	simm.s32 @!p0 $0x6400;
	[tilespmem:s18+$0xA440] =	vst.add.f32.msk $0xffff, v1;
	s18 =	sadd.s32 @!p0 $0x100, s19;
	s19 =	simm.s32 @!p0 $0x80  }
0x4d: {  	[tilespmem:s20], [sflag:$0x1] =	stream.indirect.gather @!p0 [hbm4b:s3+s19], $0x40, s18, s19, $0xb8;
	[tilespmem:$0xC400] =	vst v63  }
0x4e: {  	_ =	swait.ge [sflag:s13], $0x2000  }
0x4f: {  	[sflag:s13] =	ssyncset.done $0x0  }
0x50: {  	s18 =	simm.s32 $0x0;
	s19 =	simm.s32 $0x200;
	[sflag:s13] =	ssyncadd.s32 $0xFFFFE000  }
.LBB2_7:
0x51: {  	p1 =	sne.s32 s19, $0x7E00;
	v1 =	vld [tilespmem:s18+$0x8470]  }
0x52: {  	v2 =	vld [tilespmem:s18+$0x8400]  }
0x53: {  	v3 =	vld [tilespmem:s18+$0x8410]  }
0x54: {  	v4 =	vld [tilespmem:s18+$0x8420]  }
0x55: {  	v5 =	vld [tilespmem:s18+$0x8430]  }
0x56: {  	[tilespmem:s18+$0xA470] =	vst.add.f32.msk $0xffff, v1  }
0x57: {  	v1 =	vld [tilespmem:s18+$0x8440]  }
0x58: {  	v6 =	vld [tilespmem:s18+$0x8450]  }
0x59: {  	v7 =	vld [tilespmem:s18+$0x8460]  }
0x5a: {  	[tilespmem:s18+$0xA400] =	vst.add.f32.msk $0xffff, v2  }
0x5b: {  	[tilespmem:s18+$0xA410] =	vst.add.f32.msk $0xffff, v3  }
.Ltmp4:
0x5c: {  	[tilespmem:s18+$0xA420] =	vst.add.f32.msk $0xffff, v4;
	(pc) =	sbr.rel @p1 .LBB2_7-.Ltmp4, $4  }
0x5d: {  	[tilespmem:s18+$0xA430] =	vst.add.f32.msk $0xffff, v5  }
0x5e: {  	[tilespmem:s18+$0xA440] =	vst.add.f32.msk $0xffff, v1  }
0x5f: {  	[tilespmem:s18+$0xA450] =	vst.add.f32.msk $0xffff, v6  }
0x60: {  	[tilespmem:s18+$0xA460] =	vst.add.f32.msk $0xffff, v7;
	s18 =	sshra.s32 s19, $0x2;
	s19 =	sadd.s32 $0x200, s19  }
0x61: {  	v1 =	vld [tilespmem:s18+$0x8470]  }
0x62: {  	v2 =	vld [tilespmem:s18+$0x8400]  }
0x63: {  	v3 =	vld [tilespmem:s18+$0x8410]  }
0x64: {  	v4 =	vld [tilespmem:s18+$0x8420]  }
0x65: {  	v5 =	vld [tilespmem:s18+$0x8430]  }
0x66: {  	v6 =	vld [tilespmem:s18+$0x8450]  }
0x67: {  	v7 =	vld [tilespmem:s18+$0x8460]  }
0x68: {  	[tilespmem:s18+$0xA470] =	vst.add.f32.msk $0xffff, v1  }
0x69: {  	v1 =	vld [tilespmem:s18+$0x8440]  }
0x6a: {  	[tilespmem:s18+$0xA400] =	vst.add.f32.msk $0xffff, v2  }
0x6b: {  	[tilespmem:s18+$0xA410] =	vst.add.f32.msk $0xffff, v3  }
.Ltmp5:
0x6c: {  	[tilespmem:s18+$0xA420] =	vst.add.f32.msk $0xffff, v4;
	(pc) =	sbr.rel @p0 .LBB2_10-.Ltmp5, $4  }
0x6d: {  	[tilespmem:s18+$0xA430] =	vst.add.f32.msk $0xffff, v5  }
0x6e: {  	[tilespmem:s18+$0xA450] =	vst.add.f32.msk $0xffff, v6  }
0x6f: {  	[tilespmem:s18+$0xA460] =	vst.add.f32.msk $0xffff, v7  }
0x70: {  	[tilespmem:s18+$0xA440] =	vst.add.f32.msk $0xffff, v1  }
.Ltmp6:
0x71: {  	(pc) =	sbr.rel .LBB2_4-.Ltmp6, $4  }
0x72: {  	_ = 	snop  }
0x73: {  	s17 =	sshrl.u32 s17, $0x2  }
0x74: {  	s16 =	sadd.s32 $0x1, s16;
	s17 =	sadd.s32 $0x180, s17  }
0x75: {  	[tilespmem:s11], [sflag:$0x2] =	stream.indirect.gather [hbm4b:s3+s7], $0x40, s17, s7, $0xb8;
	[tilespmem:$0xC400] =	vst v63  }
.LBB2_11:
0x76: {  	_ =	sfence.sel $0x180000  }
0x77: {  	[bflag:$0x0] =	sbarrier.arrive $0xFFFF  }
0x78: {  	p0 =	sne.s32 s1, $0x0;
	_ =	strace $0x90000047  }
0x79: {  	s0 =	sadd.s32 @!p0 $0x100000, s0;
	[bflag:$0x2] =	sbarrier.arrive $0xFFFF  }
0x7a: {  	[sflag:s0] =	ssyncadd.tile.s32 @!p0 $0x1;
	_ =	shalt  }
.Lfunc_end2:
_tile_overlayer_lowered:
.L_overlay_start_2:
0x7b: {  	(tag) =	ssettag $0x2  }
0x7c: {  	s0 =	rddreg [dreg:$0x0];
	s2 =	stileid.u32  }
0x7d: {  	s1 =	rddreg [dreg:$0x1];
	p0 =	sne.s32 s2, $0x0  }
0x7e: {  	s3 =	rddreg [dreg:$0x2];
	[bflag:$0x3] =	sbarrier.arrive $0xFFFF;
	s2 =	simm.s32 @!p0 $0x1C03  }
0x7f: {  	[timem:s3], [sflag:s2] =	dma.local @!p0 [hbm:s0], s1  }
0x80: {  	s0 =	simm.s32 @!p0 $0x3  }
0x81: {  	_ =	swait.ge @!p0 [sflag:s0], s1  }
0x82: {  	s1 =	ssub.s32 @!p0 $0x0, s1;
	[sflag:s0] =	ssyncset.done @!p0 $0x0  }
0x83: {  	[sflag:s0] =	ssyncadd.s32 @!p0 s1  }
0x84: {  	[bflag:$0x3] =	sbarrier.arrive $0xFFFF  }
0x85: {  	_ =	shalt  }

</sc_bundles>
